<compile_context>
chip_gen: v7x
topology: tpu7x:2x2x1
jax: 0.10.2.dev20260603
libtpu: 0.0.44.dev20260713+nightly
codegen_flags: <defaults>
</compile_context>

<pallas_src>
import functools

import jax
import jax.numpy as jnp
from jax import lax
from jax.experimental import pallas as pl
from jax.experimental.pallas import tpu as pltpu
from jax.experimental.pallas import tpu_sc as plsc


def kernel(x, pos_emb_table):
    B, S, D = x.shape
    NW = 32
    ROWS = B * S
    rows_per_w = ROWS // NW
    R = 8
    CH = rows_per_w // R
    CHUNK = R * D

    mesh = plsc.VectorSubcoreMesh(core_axis_name="c", subcore_axis_name="s")

    @functools.partial(
        pl.kernel,
        out_type=jax.ShapeDtypeStruct((B * S * D,), jnp.float32),
        mesh=mesh,
        scratch_types=[
            pltpu.VMEM((CHUNK,), jnp.float32),
            pltpu.VMEM((CHUNK,), jnp.float32),
        ],
    )
    def sc_add(x_hbm, pos_hbm, out_hbm, xv, pv):
        wid = lax.axis_index("s") * 2 + lax.axis_index("c")
        row0 = wid * rows_per_w

        def chunk_body(c, carry):
            row = row0 + c * R
            xbase = row * D
            pbase = (row % S) * D
            pltpu.sync_copy(x_hbm.at[pl.ds(xbase, CHUNK)], xv)
            pltpu.sync_copy(pos_hbm.at[pl.ds(pbase, CHUNK)], pv)

            @plsc.parallel_loop(0, CHUNK, 16, unroll=8)
            def _(off):
                xv[pl.ds(off, 16)] = xv[pl.ds(off, 16)] + pv[pl.ds(off, 16)]
            pltpu.sync_copy(xv, out_hbm.at[pl.ds(xbase, CHUNK)])
            return carry

        lax.fori_loop(0, CH, chunk_body, 0)

    out = sc_add(x.reshape(B * S * D), pos_emb_table.reshape(S * D))
    return out.reshape(B, S, D)

# --- scband reference (transcript-rebuilt; emitter-appended) ---
"""Pipeline reference for scband-positional-encoding-87771951661198 (READ-ONLY COPY).

The authoritative reference and input builder live on the scoring server;
editing this copy changes nothing except your own understanding.
"""

import jax, jax.numpy as jnp
import numpy as np

SEQ_LEN = 4096
D_MODEL = 4096
BATCH = 4

def setup_inputs(seed: int = 0) -> dict:
    key = jax.random.key(seed)
    k1, k2 = jax.random.split(key)
    x = jax.random.normal(k1, (BATCH, SEQ_LEN, D_MODEL), dtype=jnp.float32)
    # Embedding table initialized like keras Embedding (uniform)
    pos_emb_table = jax.random.uniform(k2, (SEQ_LEN, D_MODEL), dtype=jnp.float32, minval=-0.05, maxval=0.05)
    return {"x": x, "pos_emb_table": pos_emb_table}

def reference(x, pos_emb_table):
    seq_len = x.shape[1]
    positions = jnp.arange(seq_len)
    pos = jnp.take(pos_emb_table, positions, axis=0)  # [S, D]
    return x + pos[None, :, :]

if __name__ == "__main__":
    import jax
    _d = setup_inputs()
    print(jax.jit(kernel)(*tuple(_d.values())))

</pallas_src>

<mosaic_0001>
#map = affine_map<(d0, d1) -> (0)>
module attributes {stable_mosaic.version = 14 : i64} {
  func.func @sc_add(%arg0: i32, %arg1: i32, %arg2: memref<67108864xf32, #tpu.memory_space<hbm>>, %arg3: memref<16777216xf32, #tpu.memory_space<hbm>>, %arg4: memref<67108864xf32, #tpu.memory_space<hbm>>, %arg5: memref<32768xf32, #tpu.memory_space<vmem>>, %arg6: memref<32768xf32, #tpu.memory_space<vmem>>) attributes {dimension_semantics = [#tpu.dimension_semantics<core_parallel>, #tpu.dimension_semantics<subcore_parallel>], iteration_bounds = array<i64: 2, 16>, scalar_prefetch = 0 : i64, scratch_operands = 2 : i64, tpu.core_type = #tpu.core_type<sc_vector_subcore>, window_params = [{transform_indices = #map}, {transform_indices = #map}, {transform_indices = #map}]} {
    %mul3A = arith.constant 2 : i32
    %mul3A_0 = arith.muli %arg1, %mul3A : i32
    %add3A = arith.addi %mul3A_0, %arg0 : i32
    %mul3A_1 = arith.constant 512 : i32
    %mul3A_2 = arith.muli %add3A, %mul3A_1 : i32
    %scan3A = arith.constant 0 : i32
    %scan3A_3 = arith.constant 0 : i32
    %scan3A_4 = arith.constant 64 : i32
    %scan3A_5 = arith.addi %scan3A_3, %scan3A_4 : i32
    %scan3A_6 = arith.constant 1 : i32
    scf.for %scan3A_8 = %scan3A_3 to %scan3A_5 step %scan3A_6  : i32 {
      %mul3A_9 = arith.constant 8 : i32
      %mul3A_10 = arith.muli %scan3A_8, %mul3A_9 : i32
      %add3A_11 = arith.addi %mul3A_2, %mul3A_10 : i32
      %mul3A_12 = arith.constant 4096 : i32
      %mul3A_13 = arith.muli %add3A_11, %mul3A_12 : i32
      %jit3A = arith.constant 4096 : i32
      %eq3A = arith.constant 0 : i32
      %eq3A_14 = arith.cmpi eq, %jit3A, %eq3A : i32
      %jit3A_15 = arith.constant 1 : i32
      %select_n3A = arith.select %eq3A_14, %jit3A_15, %jit3A : i32
      %rem3A = arith.remsi %add3A_11, %select_n3A : i32
      %ne3A = arith.constant 0 : i32
      %ne3A_16 = arith.cmpi ne, %rem3A, %ne3A : i32
      %lt3A = arith.constant 0 : i32
      %lt3A_17 = arith.cmpi slt, %rem3A, %lt3A : i32
      %lt3A_18 = arith.constant 0 : i32
      %lt3A_19 = arith.cmpi slt, %select_n3A, %lt3A_18 : i32
      %ne3A_20 = arith.xori %lt3A_17, %lt3A_19 : i1
      %and3A = arith.andi %ne3A_20, %ne3A_16 : i1
      %add3A_21 = arith.addi %rem3A, %select_n3A : i32
      %select_n3A_22 = arith.select %and3A, %add3A_21, %rem3A : i32
      %mul3A_23 = arith.constant 4096 : i32
      %mul3A_24 = arith.muli %select_n3A_22, %mul3A_23 : i32
      "tpu.region"() ({
        %run_scoped3A = tpu.sem_alloc : memref<!tpu.dma_semaphore, #tpu.memory_space<semaphore_mem>>
        %dma_start3A = tpu.memref_slice %arg2[%mul3A_13] : memref<67108864xf32, #tpu.memory_space<hbm>> -> memref<32768xf32, #tpu.memory_space<hbm>>
        %dma_start3A_27 = tpu.memref_slice %arg2[%mul3A_13] : memref<67108864xf32, #tpu.memory_space<hbm>> -> memref<32768xf32, #tpu.memory_space<hbm>>
        tpu.enqueue_dma source(%dma_start3A_27 : memref<32768xf32, #tpu.memory_space<hbm>>) target(%arg5 : memref<32768xf32, #tpu.memory_space<vmem>>) target_semaphore(%run_scoped3A : memref<!tpu.dma_semaphore, #tpu.memory_space<semaphore_mem>>)
        %dma_wait3A = tpu.memref_slice %arg2[%mul3A_13] : memref<67108864xf32, #tpu.memory_space<hbm>> -> memref<32768xf32, #tpu.memory_space<hbm>>
        %dma_wait3A_28 = tpu.memref_slice %arg2[%mul3A_13] : memref<67108864xf32, #tpu.memory_space<hbm>> -> memref<32768xf32, #tpu.memory_space<hbm>>
        tpu.wait_dma2 semaphore(%run_scoped3A : memref<!tpu.dma_semaphore, #tpu.memory_space<semaphore_mem>>) src(%dma_wait3A_28 : memref<32768xf32, #tpu.memory_space<hbm>>) dst(%arg5 : memref<32768xf32, #tpu.memory_space<vmem>>)
        tpu.yield
      }) : () -> ()
      "tpu.region"() ({
        %run_scoped3A = tpu.sem_alloc : memref<!tpu.dma_semaphore, #tpu.memory_space<semaphore_mem>>
        %dma_start3A = tpu.memref_slice %arg3[%mul3A_24] : memref<16777216xf32, #tpu.memory_space<hbm>> -> memref<32768xf32, #tpu.memory_space<hbm>>
        %dma_start3A_27 = tpu.memref_slice %arg3[%mul3A_24] : memref<16777216xf32, #tpu.memory_space<hbm>> -> memref<32768xf32, #tpu.memory_space<hbm>>
        tpu.enqueue_dma source(%dma_start3A_27 : memref<32768xf32, #tpu.memory_space<hbm>>) target(%arg6 : memref<32768xf32, #tpu.memory_space<vmem>>) target_semaphore(%run_scoped3A : memref<!tpu.dma_semaphore, #tpu.memory_space<semaphore_mem>>)
        %dma_wait3A = tpu.memref_slice %arg3[%mul3A_24] : memref<16777216xf32, #tpu.memory_space<hbm>> -> memref<32768xf32, #tpu.memory_space<hbm>>
        %dma_wait3A_28 = tpu.memref_slice %arg3[%mul3A_24] : memref<16777216xf32, #tpu.memory_space<hbm>> -> memref<32768xf32, #tpu.memory_space<hbm>>
        tpu.wait_dma2 semaphore(%run_scoped3A : memref<!tpu.dma_semaphore, #tpu.memory_space<semaphore_mem>>) src(%dma_wait3A_28 : memref<32768xf32, #tpu.memory_space<hbm>>) dst(%arg6 : memref<32768xf32, #tpu.memory_space<vmem>>)
        tpu.yield
      }) : () -> ()
      %parallel_loop3A = arith.constant 0 : i32
      %parallel_loop3A_25 = arith.constant 32768 : i32
      %parallel_loop3A_26 = arith.constant 16 : i32
      scf.for %parallel_loop3A_27 = %parallel_loop3A to %parallel_loop3A_25 step %parallel_loop3A_26  : i32 {
        %parallel_loop3A_28 = arith.index_cast %parallel_loop3A_27 : i32 to index
        %parallel_loop3A_29 = tpu.vector_load %arg5[%parallel_loop3A_28] {strides = array<i32>} : memref<32768xf32, #tpu.memory_space<vmem>>, vector<16xf32>,
        %parallel_loop3A_30 = vector.shape_cast %parallel_loop3A_29 : vector<16xf32> to vector<16xf32>
        %parallel_loop3A_31 = arith.index_cast %parallel_loop3A_27 : i32 to index
        %parallel_loop3A_32 = tpu.vector_load %arg6[%parallel_loop3A_31] {strides = array<i32>} : memref<32768xf32, #tpu.memory_space<vmem>>, vector<16xf32>,
        %parallel_loop3A_33 = vector.shape_cast %parallel_loop3A_32 : vector<16xf32> to vector<16xf32>
        %parallel_loop3A_34 = arith.addf %parallel_loop3A_30, %parallel_loop3A_33 : vector<16xf32>
        %parallel_loop3A_35 = arith.index_cast %parallel_loop3A_27 : i32 to index
        %parallel_loop3A_36 = tpu.vector_load %arg5[%parallel_loop3A_35] {strides = array<i32>} : memref<32768xf32, #tpu.memory_space<vmem>>, vector<16xf32>,
        %parallel_loop3A_37 = vector.shape_cast %parallel_loop3A_36 : vector<16xf32> to vector<16xf32>
        %parallel_loop3A_38 = vector.shape_cast %parallel_loop3A_34 : vector<16xf32> to vector<16xf32>
        tpu.vector_store %arg5[%parallel_loop3A_35], %parallel_loop3A_38 {strides = array<i32>} : memref<32768xf32, #tpu.memory_space<vmem>>, vector<16xf32>,
      } {sc.loop_unroll_factor = 8 : i64, sc.parallel_access}
      "tpu.region"() ({
        %run_scoped3A = tpu.sem_alloc : memref<!tpu.dma_semaphore, #tpu.memory_space<semaphore_mem>>
        %dma_start3A = tpu.memref_slice %arg4[%mul3A_13] : memref<67108864xf32, #tpu.memory_space<hbm>> -> memref<32768xf32, #tpu.memory_space<hbm>>
        %dma_start3A_27 = tpu.memref_slice %arg4[%mul3A_13] : memref<67108864xf32, #tpu.memory_space<hbm>> -> memref<32768xf32, #tpu.memory_space<hbm>>
        tpu.enqueue_dma source(%arg5 : memref<32768xf32, #tpu.memory_space<vmem>>) target(%dma_start3A_27 : memref<32768xf32, #tpu.memory_space<hbm>>) target_semaphore(%run_scoped3A : memref<!tpu.dma_semaphore, #tpu.memory_space<semaphore_mem>>)
        %dma_wait3A = tpu.memref_slice %arg4[%mul3A_13] : memref<67108864xf32, #tpu.memory_space<hbm>> -> memref<32768xf32, #tpu.memory_space<hbm>>
        %dma_wait3A_28 = tpu.memref_slice %arg4[%mul3A_13] : memref<67108864xf32, #tpu.memory_space<hbm>> -> memref<32768xf32, #tpu.memory_space<hbm>>
        tpu.wait_dma2 semaphore(%run_scoped3A : memref<!tpu.dma_semaphore, #tpu.memory_space<semaphore_mem>>) src(%arg5 : memref<32768xf32, #tpu.memory_space<vmem>>) dst(%dma_wait3A_28 : memref<32768xf32, #tpu.memory_space<hbm>>)
        tpu.yield
      }) : () -> ()
    }
    %scan3A_7 = arith.constant 64 : i32
    return
  }
}

</mosaic_0001>

<sc_bundles>
// kernel: kernel.3.cloned.1.call-start
scs
__scs_entry_jumppad:
0x0: {  	(pc) =	sbr.rel $0x88, $3  }
0x1: {  	(tag) =	ssettag $0x0;
	lr =	simm.s32 $0x1  }
0x2: {  	[smem:$0x3F9F] =	sst lr;
	_ =	strace $0xD0000000  }
0x3: {  	_ = 	snop  }
0x4: {  	_ = 	snop  }
0x5: {  	_ = 	snop  }
0x6: {  	_ = 	snop  }
0x7: {  	_ = 	snop  }
__scs_overlays_trampoline_lowered:
0x8: {  	[smem:$0x3FAE] =	sst s0  }
0x9: {  	[smem:$0x3FAF] =	sst s1  }
0xa: {  	[smem:$0x3FB0] =	sst s2  }
0xb: {  	[smem:$0x3FB1] =	sst s3  }
0xc: {  	[smem:$0x3FB2] =	sst s4  }
0xd: {  	[smem:$0x3FB3] =	sst s5  }
0xe: {  	[smem:$0x3FB4] =	sst s6  }
0xf: {  	[smem:$0x3FB5] =	sst s7  }
0x10: {  	[smem:$0x3FB6] =	sst s8  }
0x11: {  	[smem:$0x3FB7] =	sst s9;
	s0 =	simm.s32 @!p0 $0x0  }
0x12: {  	s1 =	sld [smem:$0x3F9D];
	s0 =	simm.s32 @p0 $0x1  }
0x13: {  	[smem:$0x3FB8] =	sst s0;
	s0 =	simm.s32 @!p1 $0x0  }
0x14: {  	s2 =	sld [smem:$0x3F9C];
	s0 =	simm.s32 @p1 $0x1  }
0x15: {  	[smem:$0x3FB9] =	sst s0;
	s0 =	simm.s32 @!p2 $0x0  }
0x16: {  	s3 =	sld [smem:$0x3FDB];
	s0 =	simm.s32 @p2 $0x1  }
0x17: {  	s4 =	simm.s32 $0x1BF5;
	[smem:$0x3FBB] =	sst s0  }
0x18: {  	s0 =	sld [smem:$0x3F9E];
	_ =	swait.ge [sflag:s4], $0x0  }
0x19: {  	s7 =	sld [smem:$0x3F9F]  }
0x1a: {  	s8 =	sadd.s32 $0xFFFFE003, lr  }
0x1b: {  	s9 =	sadd.s32 $0xFFFFFEF7, lr;
	s5 =	simm.s32 $0xFFFFFFFF;
	p2 =	slt.u32 s8, $0xFFFFF086  }
0x1c: {  	p1 =	slt.u32 s9, $0xF7A;
	s5 =	simm.s32 @!p2 $0x0  }
0x1d: {  	s5 =	simm.s32 @p1 $0x1;
	p0 =	seq.s32 s7, s2  }
0x1e: {  	s7 =	smul.u32 @!p0 $0xF7A, s2;
	p2 =	seq.s32 @!p0 s5, $0x0  }
0x1f: {  	s9 =	smul.u32 $0xF7A, s1;
	s8 =	simm.s32 @!p0 $0x1BF5;
	p2 =	por !p2, p0  }
0x20: {  	[sflag:s8] =	ssyncset.s32 @!p0 $0xFFFFF086;
	s6 =	sadd.s32 @!p0 s3, s7;
	s7 =	simm.s32 @!p0 $0x108  }
0x21: {  	s3 =	sadd.s32 s3, s9;
	s6 =	sadd.s32 @!p0 $0x88, s6;
	s7 =	simm.s32 @p2 $0x1082  }
0x22: {  	[simem:s7], [sflag:s8] =	dma.local @!p0 [hbm:s6], $0xF7A  }
0x23: {  	s9 =	sor.u32 $0xD0000000, s2;
	s6 =	simm.s32 $0x108;
	_ =	swait.ge @!p0 [sflag:s8], $0x0  }
0x24: {  	s3 =	sadd.s32 $0x88, s3;
	s6 =	simm.s32 @!p1 $0x1082;
	[sflag:s4] =	ssyncset.s32 $0xFFFFF086  }
0x25: {  	[simem:s6], [sflag:s4] =	dma.local [hbm:s3], $0xF7A  }
0x26: {  	[smem:$0x3F9F] =	sst s1;
	(tag) =	ssettag s2;
	_ =	strace s9  }
0x27: {  	s1 =	sld [smem:$0x3FAF]  }
0x28: {  	s2 =	sld [smem:$0x3FB0]  }
0x29: {  	s4 =	sld [smem:$0x3FB2]  }
0x2a: {  	p0 =	seq.s32 s5, $0x0;
	s5 =	sld [smem:$0x3FB3]  }
0x2b: {  	s6 =	sld [smem:$0x3FB4]  }
0x2c: {  	s7 =	sld [smem:$0x3FB5]  }
0x2d: {  	s3 =	simm.s32 $0x108;
	s8 =	sld [smem:$0x3FB6]  }
0x2e: {  	s3 =	simm.s32 @!p0 $0x1082;
	s9 =	sld [smem:$0x3FB7]  }
0x2f: {  	lr =	sadd.s32 s0, s3;
	s0 =	sld [smem:$0x3FAE]  }
0x30: {  	s3 =	sld [smem:$0x3FB1]  }
0x31: {  	[smem:$0x3FBA] =	sst s10  }
0x32: {  	s10 =	sld [smem:$0x3FB8];
	_ =	sdelay $0x3  }
0x33: {  	p0 =	seq.s32 s10, $0x1;
	s10 =	sld [smem:$0x3FBA];
	_ =	sdelay $0x3  }
0x34: {  	[smem:$0x3FBA] =	sst s10  }
0x35: {  	s10 =	sld [smem:$0x3FB9];
	_ =	sdelay $0x3  }
0x36: {  	p1 =	seq.s32 s10, $0x1;
	s10 =	sld [smem:$0x3FBA];
	_ =	sdelay $0x3  }
0x37: {  	[smem:$0x3FBA] =	sst s10  }
0x38: {  	s10 =	sld [smem:$0x3FBB]  }
0x39: {  	_ = 	snop;
	(pc) =	sbr.ind lr, $3  }
0x3a: {  	_ = 	snop  }
0x3b: {  	_ = 	snop  }
0x3c: {  	p2 =	seq.s32 s10, $0x1;
	s10 =	sld [smem:$0x3FBA]  }
0x3d: {  	_ =	shalt  }
0x3e: {  	_ =	shalt  }
0x3f: {  	_ =	shalt  }
0x40: {  	_ =	shalt  }
0x41: {  	_ =	shalt  }
0x42: {  	_ =	shalt  }
0x43: {  	_ =	shalt  }
0x44: {  	_ =	shalt  }
0x45: {  	_ =	shalt  }
0x46: {  	_ =	shalt  }
0x47: {  	_ =	shalt  }
0x48: {  	_ =	shalt  }
0x49: {  	_ =	shalt  }
0x4a: {  	_ =	shalt  }
0x4b: {  	_ =	shalt  }
0x4c: {  	_ =	shalt  }
0x4d: {  	_ =	shalt  }
0x4e: {  	_ =	shalt  }
0x4f: {  	_ =	shalt  }
0x50: {  	_ =	shalt  }
0x51: {  	_ =	shalt  }
0x52: {  	_ =	shalt  }
0x53: {  	_ =	shalt  }
0x54: {  	_ =	shalt  }
0x55: {  	_ =	shalt  }
0x56: {  	_ =	shalt  }
0x57: {  	_ =	shalt  }
0x58: {  	_ =	shalt  }
0x59: {  	_ =	shalt  }
0x5a: {  	_ =	shalt  }
0x5b: {  	_ =	shalt  }
0x5c: {  	_ =	shalt  }
0x5d: {  	_ =	shalt  }
0x5e: {  	_ =	shalt  }
0x5f: {  	_ =	shalt  }
0x60: {  	_ =	shalt  }
0x61: {  	_ =	shalt  }
0x62: {  	_ =	shalt  }
0x63: {  	_ =	shalt  }
0x64: {  	_ =	shalt  }
0x65: {  	_ =	shalt  }
0x66: {  	_ =	shalt  }
0x67: {  	_ =	shalt  }
0x68: {  	_ =	shalt  }
0x69: {  	_ =	shalt  }
0x6a: {  	_ =	shalt  }
0x6b: {  	_ =	shalt  }
0x6c: {  	_ =	shalt  }
0x6d: {  	_ =	shalt  }
0x6e: {  	_ =	shalt  }
0x6f: {  	_ =	shalt  }
0x70: {  	_ =	shalt  }
0x71: {  	_ =	shalt  }
0x72: {  	_ =	shalt  }
0x73: {  	_ =	shalt  }
0x74: {  	_ =	shalt  }
0x75: {  	_ =	shalt  }
0x76: {  	_ =	shalt  }
0x77: {  	_ =	shalt  }
0x78: {  	_ =	shalt  }
0x79: {  	_ =	shalt  }
0x7a: {  	_ =	shalt  }
0x7b: {  	_ =	shalt  }
0x7c: {  	_ =	shalt  }
0x7d: {  	_ =	shalt  }
0x7e: {  	_ =	shalt  }
0x7f: {  	_ =	shalt  }
0x80: {  	_ =	shalt  }
0x81: {  	_ =	shalt  }
0x82: {  	_ =	shalt  }
0x83: {  	_ =	shalt  }
0x84: {  	_ =	shalt  }
0x85: {  	_ =	shalt  }
0x86: {  	_ =	shalt  }
0x87: {  	_ =	shalt  }
.Lfunc_end0:
.L_simem_size_0:
called_computation.2_lowered:
.L_overlay_start_0:
0x88: {  	s2 =	sld [smem:$0x3FD9]  }
0x89: {  	s3 =	sld [smem:$0x3FFE];
	_ =	sdelay $0x1  }
0x8a: {  	s1 =	srdreg.scid  }
0x8b: {  	s0 =	sand.u32 $0x1, s1  }
0x8c: {  	s17 =	sshll.u32 s0, $0xA;
	s2 =	sadd.s32 s3, s2  }
0x8d: {  	s2 =	sadd.s32 s2, s17  }
0x8e: {  	[smem:$0x3FC6] =	sst s2  }
0x8f: {  	_ = 	snop  }
0x90: {  	s2 =	sld [smem:$0x3FD0];
	(tm) =	ssettm $0x1  }
0x91: {  	s18 =	sld [smem:$0x3FFB];
	_ =	sdelay $0x3  }
0x92: {  	_ =	strace s18  }
0x93: {  	s3 =	sld [smem:$0x3FFC];
	_ =	sdelay $0x3  }
0x94: {  	_ =	strace s3  }
0x95: {  	s3 =	sld [smem:$0x3FFD];
	_ =	sdelay $0x3  }
0x96: {  	_ =	strace s3  }
0x97: {  	_ =	strace $0x8FFFFFFF  }
0x98: {  	s19 =	sld [smem:$0x3FDB];
	_ =	sdelay $0x1  }
0x99: {  	s4 =	simm.s32 $_scs_section_size  }
0x9a: {  	s5 =	simm.s32 $_size__tile_overlayer_lowered;
	s6 =	simm.s32 $_tile_overlayer_lowered  }
0x9b: {  	s22 =	simm.s32 $0x1BFF;
	s21 =	sshll.u32 s6, $0x1;
	s3 =	sadd.s32 s4, s19  }
0x9c: {  	s7 =	simm.s32 $0x0;
	s20 =	sshll.u32 s5, $0x1;
	s5 =	sadd.s32 s21, s3  }
0x9d: {  	[timem:s7], [sflag:s22] =	dma.local [hbm:s5], s20  }
0x9e: {  	_ =	swait.ge [sflag:s22], s20  }
0x9f: {  	s4 =	ssub.s32 $0x0, s20;
	[sflag:s22] =	ssyncset.done $0x0  }
0xa0: {  	[sflag:s22] =	ssyncadd.s32 s4;
	_ =	sdelay $0x1  }
0xa1: {  	s23 =	simm.s32 $0x1B8B  }
0xa2: {  	_ =	swait.ge [sflag:s23], $0x1  }
0xa3: {  	[sflag:s23] =	ssyncset.done $0x0  }
0xa4: {  	s25 =	simm.s32 $0x1B8E;
	s24 =	sld [smem:$0x3FFE];
	[sflag:s23] =	ssyncadd.s32 $0xFFFFFFFF  }
0xa5: {  	s26 =	simm.s32 $execute0_lowered;
	[smem:$0x3FD2] =	sst s25  }
0xa6: {  	s5 =	sshll.u32 s26, $0x1;
	_ =	strace $0x8000004C;
	[dreg:$0x1] =	wrdreg $0xFFFFFFFF  }
0xa7: {  	s28 =	simm.s32 $_size_execute0_lowered;
	s3 =	sadd.s32 s3, s5;
	[dreg:$0x0] =	wrdreg $0x0  }
0xa8: {  	s5 =	sshll.u32 s28, $0x1;
	[dreg:$0x2] =	wrdreg s3  }
0xa9: {  	[dreg:$0x3] =	wrdreg s5  }
0xaa: {  	[dreg:$0x4] =	wrdreg $0xC0  }
0xab: {  	_ =	task [dreg:s7], $0x5FFFF  }
0xac: {  	[dreg:$0x1] =	wrdreg $0xFFFFFFFF  }
0xad: {  	[dreg:$0x0] =	wrdreg $0x60  }
0xae: {  	[dreg:$0x2] =	wrdreg s2  }
0xaf: {  	[dreg:$0x3] =	wrdreg s24  }
0xb0: {  	[dreg:$0x4] =	wrdreg $0x9  }
0xb1: {  	_ =	task.clear_ibuf [dreg:s7], $0x5FFFF;
	_ =	strace $0x9000004C  }
0xb2: {  	s29 =	simm.s32 $0x9;
	_ =	strace $0x8000004E  }
0xb3: {  	_ =	swait.ge [sflag:s29], $0x1  }
0xb4: {  	[sflag:s29] =	ssyncadd.s32 $0xFFFFFFFF  }
0xb5: {  	_ =	strace $0x9000004E  }
0xb6: {  	_ =	sfence  }
0xb7: {  	s30 =	sld [smem:$0x0];
	_ =	sdelay $0x2  }
0xb8: {  	s31 =	sshll.u32 s1, $0xD;
	s1 =	sshrl.u32 s1, $0x2  }
0xb9: {  	s3 =	sand.u32 $0x4000, s31;
	s1 =	sadd.s32 s1, s30  }
0xba: {  	s0 =	sor.u32 s3, s0;
	s1 =	sshll.u32 s1, $0x11  }
0xbb: {  	s0 =	sor.u32 s1, s0  }
0xbc: {  	s0 =	sadd.s32 $0x8F2B, s0  }
0xbd: {  	[sflag:s0] =	ssyncadd.remote.s32 $0x1  }
0xbe: {  	_ =	sfence.sel $0xFFFF  }
0xbf: {  	[dreg:$0x0] =	wrdreg $0xFFFFFFFF;
	(pc) =	sbr.abs _section_cstart, $3  }
0xc0: {  	[dreg:$0x1] =	wrdreg $0xFFFFFFFF  }
0xc1: {  	_ =	task.clear_ibuf [dreg:s7], $0x2FFFF;
	_ =	strace $0x9FFFFFFF  }
0xc2: {  	(tm) =	ssettm $0x7FFFFFFF  }
0xc3: {  	_ =	shalt  }
tec
execute0_lowered:
.L_overlay_start_1:
0x0: {  	(tag) =	ssettag $0x1  }
0x1: {  	s1 =	rddreg [dreg:$0x0]  }
0x2: {  	s5 =	rddreg [dreg:$0x1]  }
0x3: {  	s0 =	rddreg [dreg:$0x2]  }
0x4: {  	s2 =	simm.s32 $0x0;
	s3 =	srdreg.scid;
	s9 =	simm.s32 $0x8000  }
0x5: {  	s10 =	simm.s32 $0x0;
	[smem:$0x7FF] =	sst s2;
	s6 =	sand.u32 $0x1, s3  }
0x6: {  	s4 =	sadd.s32 $0xC00, s5;
	s3 =	stileid.u32;
	s7 =	ssub.s32 $0x2, s6  }
0x7: {  	s5 =	sadd.s32 $0x200C00, s5;
	_ =	strace $0x8000004D;
	s8 =	sshrl.u32 s7, $0x1  }
0x8: {  	s31 =	sshll.u32 s3, $0x13;
	s6 =	sshll.u32 s6, $0x12;
	s7 =	ssub.s32 s7, s8  }
0x9: {  	s6 =	sor.u32 s6, s31;
	s8 =	simm.s32 $0x1;
	s7 =	smax.u32 s7, $0x1  }
.LBB2_1:
0xa: {  	s11 =	simm.s32 $0x0  }
.LBB2_2:
0xb: {  	s12 =	sshll.u32 s11, $0xC  }
0xc: {  	s12 =	sadd.s32 s6, s12  }
0xd: {  	s13 =	sadd.s32 s1, s12  }
0xe: {  	[tilespmem:s2], [sflag:$0x1] =	stream.linear.gather [hbm4b:s13+s2], $0x8000, $0x38;
	[tilespmem:$0x10000] =	vst v63  }
0xf: {  	_ =	swait.ge [sflag:s8], $0x8000  }
0x10: {  	s31 =	sand.u32 $0x1FF000, s12;
	[sflag:s8] =	ssyncset.done $0x0  }
0x11: {  	s13 =	sadd.s32 s4, s31;
	[sflag:s8] =	ssyncadd.s32 $0xFFFF8000  }
0x12: {  	[tilespmem:s9], [sflag:$0x1] =	stream.linear.gather [hbm4b:s13+s2], $0x8000, $0x38;
	[tilespmem:$0x10000] =	vst v63  }
0x13: {  	_ =	swait.ge [sflag:s8], $0x8000  }
0x14: {  	[sflag:s8] =	ssyncset.done $0x0  }
0x15: {  	s13 =	simm.s32 $0x40;
	[sflag:s8] =	ssyncadd.s32 $0xFFFF8000  }
0x16: {  	s14 =	simm.s32 $0x8040;
	v1 =	vld [tilespmem:s13+$0x30]  }
0x17: {  	v2 =	vld [tilespmem:s14+$0x30]  }
0x18: {  	v0 =	vld [tilespmem:s14+$0xFFFFFFC0]  }
0x19: {  	v3 =	vld [tilespmem:s13+$0xFFFFFFD0]  }
0x1a: {  	v4 =	vld [tilespmem:s14+$0xFFFFFFD0]  }
0x1b: {  	v5 =	vld [tilespmem:s13+$0xFFFFFFE0]  }
0x1c: {  	v6 =	vld [tilespmem:s14+$0xFFFFFFE0]  }
0x1d: {  	v7 =	vld [tilespmem:s13+$0xFFFFFFF0]  }
0x1e: {  	v8 =	vld [tilespmem:s14+$0xFFFFFFF0]  }
0x1f: {  	v9 =	vld [tilespmem:s13+$0x0]  }
0x20: {  	v10 =	vld [tilespmem:s14+$0x0];
	v2 =	vadd.f32 v2, v1  }
0x21: {  	v4 =	vadd.f32 v4, v3;
	v1 =	vld [tilespmem:s13+$0x10]  }
0x22: {  	v5 =	vadd.f32 v6, v5;
	v3 =	vld [tilespmem:s14+$0x10];
	[tilespmem:s13+$0x30] =	vst v2  }
0x23: {  	v6 =	vadd.f32 v8, v7;
	[tilespmem:s13+$0xFFFFFFD0] =	vst v4;
	v2 =	vld [tilespmem:s13+$0x20]  }
0x24: {  	[tilespmem:s13+$0xFFFFFFE0] =	vst v5;
	v5 =	vld [tilespmem:s14+$0x20]  }
0x25: {  	s15 =	simm.s32 $0x0;
	s16 =	simm.s32 $0xC0;
	v4 =	vld [tilespmem:s13+$0xFFFFFFC0];
	[tilespmem:s13+$0xFFFFFFF0] =	vst v6;
	v6 =	vadd.f32 v10, v9  }
.LBB2_3:
0x26: {  	v7 =	vld [tilespmem:s16+$0x30];
	s14 =	sadd.s32 $0x80, s14  }
0x27: {  	s15 =	sadd.s32 $0x80, s15;
	v8 =	vld [tilespmem:s14+$0x30];
	[tilespmem:s13+$0x0] =	vst v6;
	v1 =	vadd.f32 v3, v1  }
0x28: {  	p0 =	slt.u32 s15, $0x7F80;
	v3 =	vld [tilespmem:s14+$0xFFFFFFC0]  }
0x29: {  	v6 =	vld [tilespmem:s16+$0xFFFFFFD0];
	[tilespmem:s13+$0x10] =	vst v1;
	v1 =	vadd.f32 v5, v2  }
0x2a: {  	v2 =	vld [tilespmem:s14+$0xFFFFFFD0];
	v9 =	vadd.f32 v0, v4  }
0x2b: {  	v4 =	vld [tilespmem:s16+$0xFFFFFFE0];
	[tilespmem:s13+$0x20] =	vst v1  }
0x2c: {  	v1 =	vld [tilespmem:s14+$0xFFFFFFE0];
	v5 =	vadd.f32 v8, v7;
	[tilespmem:s13+$0xFFFFFFC0] =	vst v9;
	s13 =	smov.u32 s16  }
0x2d: {  	v7 =	vld [tilespmem:s16+$0xFFFFFFF0];
	v0 =	vmov v3  }
0x2e: {  	v8 =	vld [tilespmem:s14+$0xFFFFFFF0];
	[tilespmem:s16+$0x30] =	vst v5  }
0x2f: {  	v2 =	vadd.f32 v2, v6;
	v6 =	vld [tilespmem:s16+$0x0]  }
0x30: {  	v9 =	vld [tilespmem:s14+$0x0]  }
.Ltmp0:
0x31: {  	[tilespmem:s16+$0xFFFFFFD0] =	vst v2;
	v2 =	vadd.f32 v1, v4;
	v1 =	vld [tilespmem:s16+$0x10];
	(pc) =	sbr.rel @p0 .LBB2_3-.Ltmp0, $4  }
0x32: {  	v3 =	vld [tilespmem:s14+$0x10]  }
0x33: {  	[tilespmem:s16+$0xFFFFFFE0] =	vst v2;
	v7 =	vadd.f32 v8, v7;
	v2 =	vld [tilespmem:s16+$0x20]  }
0x34: {  	v5 =	vld [tilespmem:s14+$0x20]  }
0x35: {  	s16 =	sadd.s32 $0x80, s16;
	v4 =	vld [tilespmem:s13+$0xFFFFFFC0];
	[tilespmem:s13+$0xFFFFFFF0] =	vst v7;
	v6 =	vadd.f32 v9, v6  }
0x36: {  	_ =	sdelay $0x1  }
0x37: {  	v1 =	vadd.f32 v3, v1  }
0x38: {  	[tilespmem:s13+$0x0] =	vst v6;
	v2 =	vadd.f32 v5, v2  }
0x39: {  	s11 =	sadd.s32 $0x1, s11;
	[tilespmem:s13+$0x10] =	vst v1;
	v0 =	vadd.f32 v0, v4  }
0x3a: {  	p0 =	sne.s32 s11, $0x40;
	[tilespmem:s13+$0x20] =	vst v2  }
.Ltmp1:
0x3b: {  	s12 =	sadd.s32 s5, s12;
	[tilespmem:s13+$0xFFFFFFC0] =	vst v0;
	(pc) =	sbr.rel @p0 .LBB2_2-.Ltmp1, $4  }
0x3c: {  	[hbm4b:s12+s2] =	stream.linear.scatter [tilespmem:s2], [sflag:$0x1], $0x8000, $0x38;
	[tilespmem:$0x10000] =	vst v63  }
0x3d: {  	_ =	swait.ge [sflag:s8], $0x8000  }
0x3e: {  	[sflag:s8] =	ssyncset.done $0x0  }
0x3f: {  	[sflag:s8] =	ssyncadd.s32 $0xFFFF8000  }
0x40: {  	s10 =	sadd.s32 $0x1, s10  }
0x41: {  	p0 =	sne.s32 s10, s7  }
.Ltmp2:
0x42: {  	_ = 	snop;
	(pc) =	sbr.rel @p0 .LBB2_1-.Ltmp2, $1  }
0x43: {  	_ =	sdelay $0x3  }
0x44: {  	_ =	sfence.sel $0x180000  }
0x45: {  	[bflag:$0x0] =	sbarrier.arrive $0xFFFF  }
0x46: {  	p0 =	sne.s32 s3, $0x0;
	_ =	strace $0x9000004D  }
0x47: {  	s0 =	sadd.s32 @!p0 $0x100000, s0;
	[bflag:$0x2] =	sbarrier.arrive $0xFFFF  }
0x48: {  	[sflag:s0] =	ssyncadd.tile.s32 @!p0 $0x1;
	_ =	shalt  }
.Lfunc_end2:
_tile_overlayer_lowered:
.L_overlay_start_2:
0x49: {  	(tag) =	ssettag $0x2  }
0x4a: {  	s0 =	rddreg [dreg:$0x0];
	s2 =	stileid.u32  }
0x4b: {  	s1 =	rddreg [dreg:$0x1];
	p0 =	sne.s32 s2, $0x0  }
0x4c: {  	s3 =	rddreg [dreg:$0x2];
	[bflag:$0x3] =	sbarrier.arrive $0xFFFF;
	s2 =	simm.s32 @!p0 $0x1C01  }
0x4d: {  	[timem:s3], [sflag:s2] =	dma.local @!p0 [hbm:s0], s1  }
0x4e: {  	s0 =	simm.s32 @!p0 $0x1  }
0x4f: {  	_ =	swait.ge @!p0 [sflag:s0], s1  }
0x50: {  	s1 =	ssub.s32 @!p0 $0x0, s1;
	[sflag:s0] =	ssyncset.done @!p0 $0x0  }
0x51: {  	[sflag:s0] =	ssyncadd.s32 @!p0 s1  }
0x52: {  	[bflag:$0x3] =	sbarrier.arrive $0xFFFF  }
0x53: {  	_ =	shalt  }

// kernel: sparse-core-data-format-call.1.cloned.1.call-start
scs
called_computation.1_lowered:
.L_overlay_start_0:
0x0: {  	s2 =	sld [smem:$0x3FD9]  }
0x1: {  	s3 =	sld [smem:$0x3FFE];
	_ =	sdelay $0x1  }
0x2: {  	s1 =	srdreg.scid  }
0x3: {  	s0 =	sand.u32 $0x1, s1  }
0x4: {  	s19 =	sshll.u32 s0, $0xA;
	s2 =	sadd.s32 s3, s2  }
0x5: {  	s2 =	sadd.s32 s2, s19  }
0x6: {  	[smem:$0x3FC6] =	sst s2  }
0x7: {  	_ = 	snop  }
0x8: {  	s20 =	sld [smem:$0x3FC9]  }
0x9: {  	s4 =	sld [smem:$0x3FD0];
	(tm) =	ssettm $0x1  }
0xa: {  	s21 =	sld [smem:$0x3FFB];
	_ =	sdelay $0x3  }
0xb: {  	_ =	strace s21  }
0xc: {  	s2 =	sld [smem:$0x3FFC];
	_ =	sdelay $0x3  }
0xd: {  	_ =	strace s2  }
0xe: {  	s2 =	sld [smem:$0x3FFD];
	_ =	sdelay $0x3  }
0xf: {  	_ =	strace s2  }
0x10: {  	_ =	strace $0x8FFFFFFF  }
0x11: {  	s22 =	sld [smem:$0x3FDB];
	_ =	sdelay $0x1  }
0x12: {  	s5 =	simm.s32 $_scs_section_size  }
0x13: {  	s6 =	simm.s32 $_size__tile_overlayer_lowered;
	s7 =	simm.s32 $_tile_overlayer_lowered  }
0x14: {  	s8 =	simm.s32 $0x1BFF;
	s23 =	sshll.u32 s7, $0x1;
	s5 =	sadd.s32 s5, s22  }
0x15: {  	s24 =	simm.s32 $0x0;
	s6 =	sshll.u32 s6, $0x1;
	s7 =	sadd.s32 s23, s5  }
0x16: {  	[timem:s24], [sflag:s8] =	dma.local [hbm:s7], s6  }
0x17: {  	_ =	swait.ge [sflag:s8], s6  }
0x18: {  	s6 =	ssub.s32 $0x0, s6;
	[sflag:s8] =	ssyncset.done $0x0  }
0x19: {  	[sflag:s8] =	ssyncadd.s32 s6;
	_ =	sdelay $0x1  }
0x1a: {  	s25 =	simm.s32 $0x1B8B  }
0x1b: {  	_ =	swait.ge [sflag:s25], $0x1  }
0x1c: {  	[sflag:s25] =	ssyncset.done $0x0  }
0x1d: {  	[sflag:s25] =	ssyncadd.s32 $0xFFFFFFFF  }
0x1e: {  	s6 =	sld [smem:$0x0]  }
0x1f: {  	s7 =	sand.u32 $0xFFFFFFFE, s1  }
0x20: {  	p0 =	sne.s32 s1, s7  }
0x21: {  	s7 =	sshll.u32 @p0 s7, $0xE  }
0x22: {  	s7 =	sadd.s32 @p0 $0x11B8D, s7;
	s8 =	sshll.u32 @p0 s6, $0x11  }
0x23: {  	s7 =	sor.u32 @p0 s8, s7  }
0x24: {  	[sflag:s7] =	ssyncadd.remote.s32 @p0 $0x1;
	_ =	sdelay $0x1  }
0x25: {  	s7 =	simm.s32 @p0 $0x1B8D  }
0x26: {  	_ =	swait.eq @p0 [sflag:s7], $0x1  }
0x27: {  	[sflag:s7] =	ssyncadd.s32 @p0 $0xFFFFFFFF  }
0x28: {  	s8 =	sshll.u32 @!p0 s1, $0xE  }
0x29: {  	s8 =	sor.u32 @!p0 $0x4000, s8;
	s7 =	simm.s32 @!p0 $0x1B8D  }
0x2a: {  	s6 =	sshll.u32 @!p0 s6, $0x11;
	s8 =	sadd.s32 @!p0 $0x11B8D, s8;
	_ =	swait.eq @!p0 [sflag:s7], $0x1  }
0x2b: {  	s6 =	sor.u32 @!p0 s6, s8;
	[sflag:s7] =	ssyncadd.s32 @!p0 $0xFFFFFFFF  }
0x2c: {  	s26 =	simm.s32 $0x1B8E;
	[sflag:s6] =	ssyncadd.remote.s32 @!p0 $0x1  }
0x2d: {  	s27 =	simm.s32 $execute0_lowered;
	[smem:$0x3FD2] =	sst s26  }
0x2e: {  	s6 =	sshll.u32 s27, $0x1;
	_ =	strace $0x80000049;
	[dreg:$0x1] =	wrdreg $0xFFFFFFFF  }
0x2f: {  	s28 =	simm.s32 $_size_execute0_lowered;
	s5 =	sadd.s32 s5, s6;
	[dreg:$0x0] =	wrdreg $0x0  }
0x30: {  	s6 =	sshll.u32 s28, $0x1;
	[dreg:$0x2] =	wrdreg s5  }
0x31: {  	[dreg:$0x3] =	wrdreg s6  }
0x32: {  	[dreg:$0x4] =	wrdreg $0xC0  }
0x33: {  	_ =	task [dreg:s24], $0x5FFFF  }
0x34: {  	[dreg:$0x1] =	wrdreg $0xFFFFFFFF  }
0x35: {  	[dreg:$0x0] =	wrdreg $0x60  }
0x36: {  	[dreg:$0x2] =	wrdreg s20  }
0x37: {  	[dreg:$0x3] =	wrdreg s4  }
0x38: {  	[dreg:$0x4] =	wrdreg $0xA  }
0x39: {  	_ =	task.clear_ibuf [dreg:s24], $0x5FFFF;
	_ =	strace $0x90000049  }
0x3a: {  	s29 =	simm.s32 $0xA;
	_ =	strace $0x8000004B  }
0x3b: {  	_ =	swait.ge [sflag:s29], $0x1  }
0x3c: {  	[sflag:s29] =	ssyncadd.s32 $0xFFFFFFFF  }
0x3d: {  	_ =	strace $0x9000004B  }
0x3e: {  	_ =	sfence  }
0x3f: {  	s30 =	sld [smem:$0x0];
	_ =	sdelay $0x2  }
0x40: {  	s31 =	sshll.u32 s1, $0xD;
	s1 =	sshrl.u32 s1, $0x2  }
0x41: {  	s4 =	sand.u32 $0x4000, s31;
	s1 =	sadd.s32 s1, s30  }
0x42: {  	s0 =	sor.u32 s4, s0;
	s1 =	sshll.u32 s1, $0x11  }
0x43: {  	s0 =	sor.u32 s1, s0  }
0x44: {  	s0 =	sadd.s32 $0x8F2B, s0  }
0x45: {  	[sflag:s0] =	ssyncadd.remote.s32 $0x1  }
0x46: {  	_ =	sfence.sel $0xFFFF  }
0x47: {  	[dreg:$0x0] =	wrdreg $0xFFFFFFFF;
	(pc) =	sbr.abs _section_cstart, $3  }
0x48: {  	[dreg:$0x1] =	wrdreg $0xFFFFFFFF  }
0x49: {  	_ =	task.clear_ibuf [dreg:s24], $0x2FFFF;
	_ =	strace $0x9FFFFFFF  }
0x4a: {  	(tm) =	ssettm $0x7FFFFFFF  }
0x4b: {  	_ =	shalt  }
tec
execute0_lowered:
.L_overlay_start_1:
0x0: {  	(tag) =	ssettag $0x1  }
0x1: {  	s2 =	rddreg [dreg:$0x0]  }
0x2: {  	s3 =	rddreg [dreg:$0x1]  }
0x3: {  	s0 =	rddreg [dreg:$0x2];
	_ =	strace $0x8000004A  }
0x4: {  	s4 =	srdreg.scid;
	s1 =	stileid.u32;
	s6 =	simm.s32 $0x2  }
.Ltmp0:
0x5: {  	s11 =	simm.s32 $0x0;
	p0 =	por $0x0, $0x0;
	(pc) =	sbr.rel .LBB1_1-.Ltmp0, $4  }
0x6: {  	s7 =	simm.s32 $0x1000;
	s12 =	simm.s32 $0x0;
	s5 =	sshll.u32 s4, $0x4  }
0x7: {  	s9 =	simm.s32 $0x0;
	s4 =	simm.s32 $0x1;
	s5 =	sand.u32 $0x10, s5  }
0x8: {  	s8 =	simm.s32 $0x0;
	[sflag:s4] =	ssyncpa.u1 $0x0;
	s5 =	sor.u32 s1, s5  }
0x9: {  	[sflag:s6] =	ssyncpa.u1 $0x0;
	s6 =	simm.s32 $0x800;
	s10 =	smov.u32 s5  }
.LBB1_7:
0xa: {  	s13 =	sadd.s32 $0x10, s9  }
0xb: {  	s11 =	sadd.s32 $0x20, s10;
	s15 =	smov.u32 s10;
	p2 =	sgt.s32 s13, $0x1F  }
0xc: {  	p1 =	slt.u32 s8, $0x2;
	s15 =	smov.u32 @p2 s11  }
0xd: {  	s8 =	sadd.s32 $0x1, s8;
	s13 =	simm.s32 @p2 $0x0;
	p2 =	sgt.s32 s15, $0x7FF  }
0xe: {  	s15 =	smov.u32 @p2 s5;
	p2 =	sne.s32 s8, $0x82  }
.Ltmp1:
0xf: {  	_ = 	snop;
	(pc) =	sbr.rel @!p2 .LBB1_8-.Ltmp1, $4  }
0x10: {  	s14 =	simm.s32 @!p1 $0x2  }
0x11: {  	s12 =	smov.u32 s10;
	_ =	swait.ge @!p1 [sflag:s14], $0x4000  }
0x12: {  	p0 =	por !p0, !p0;
	s11 =	smov.u32 s9;
	[sflag:s14] =	ssyncset.done @!p1 $0x0  }
0x13: {  	s9 =	smov.u32 s13;
	[sflag:s14] =	ssyncadd.s32 @!p1 $0xFFFFC000;
	s10 =	smov.u32 s15  }
.LBB1_1:
0x14: {  	p1 =	sgt.u32 s8, $0x7F  }
0x15: {  	s13 =	sxor.u32 @!p1 $0xFFFFFFFF, s8;
	s14 =	sshll.u32 @!p1 s10, $0xC  }
0x16: {  	s15 =	sshll.u32 @!p1 s9, $0x7;
	s13 =	sshll.u32 @!p1 s13, $0xE;
	s14 =	sadd.s32 @!p1 s2, s14  }
0x17: {  	s13 =	sand.u32 @!p1 $0x4000, s13;
	s14 =	sadd.s32 @!p1 s15, s14;
	s15 =	simm.s32 @!p1 $0x0  }
0x18: {  	[tilespmem:s13], [sflag:$0x1] =	stream.linear.gather @!p1 [hbm4b:s14+s15], $0x4000, $0x38;
	[tilespmem:$0x10000] =	vst v63  }
0x19: {  	p1 =	seq.s32 s8, $0x0  }
0x1a: {  	p2 =	seq.s32 @!p1 s8, $0x81  }
0x1b: {  	p1 =	por p1, p2  }
.Ltmp2:
0x1c: {  	_ = 	snop;
	(pc) =	sbr.rel @p1 .LBB1_7-.Ltmp2, $1  }
0x1d: {  	_ =	sdelay $0x3  }
0x1e: {  	s13 =	simm.s32 $0x1;
	_ =	swait.ge [sflag:s4], $0x4000;
	s16 =	sshll.u32 s8, $0xE  }
0x1f: {  	s13 =	simm.s32 @!p0 $0x0;
	[sflag:s4] =	ssyncset.done $0x0;
	s31 =	sand.u32 $0x4000, s16  }
0x20: {  	s16 =	simm.s32 $0x0;
	s14 =	sshll.u32 s13, $0xE;
	[sflag:s4] =	ssyncadd.s32 $0xFFFFC000  }
0x21: {  	s13 =	sor.u32 $0x8040, s14;
	s15 =	sor.u32 $0x40, s14;
	s14 =	sor.u32 $0x8000, s31  }
.LBB1_3:
0x22: {  	v0 =	vmov s15;
	_ =	sdelay $0x3  }
0x23: {  	s18 =	simm.s32 $0x0  }
0x24: {  	v6 =	vld.idx.msk [tilespmem:v0+s18+$0x30 ss:$0x1], $0xffff  }
0x25: {  	v7 =	vld.idx.msk [tilespmem:v0+s18+$0xFFFFFFC0 ss:$0x1], $0xffff  }
0x26: {  	v5 =	vld.idx.msk [tilespmem:v0+s18+$0xFFFFFFD0 ss:$0x1], $0xffff  }
0x27: {  	v4 =	vld.idx.msk [tilespmem:v0+s18+$0xFFFFFFE0 ss:$0x1], $0xffff  }
0x28: {  	v3 =	vld.idx.msk [tilespmem:v0+s18+$0xFFFFFFF0 ss:$0x1], $0xffff  }
0x29: {  	v1 =	vld.idx.msk [tilespmem:v0+s18+$0x0 ss:$0x1], $0xffff  }
0x2a: {  	v2 =	vld.idx.msk [tilespmem:v0+s18+$0x10 ss:$0x1], $0xffff;
	[tilespmem:s13+$0x30] =	vst v6  }
0x2b: {  	s17 =	simm.s32 $0x80;
	s19 =	simm.s32 $0x400;
	[tilespmem:s13+$0xFFFFFFC0] =	vst v7;
	v6 =	vld.idx.msk [tilespmem:v0+s18+$0x20 ss:$0x1], $0xffff;
	s18 =	smov.u32 s13  }
.LBB1_4:
0x2c: {  	p1 =	sne.s32 s19, $0xE00;
	v7 =	vld.idx.msk [tilespmem:v0+s17+$0x30 ss:$0x1], $0xffff;
	[tilespmem:s18+$0xFFFFFFD0] =	vst v5  }
0x2d: {  	v8 =	vld.idx.msk [tilespmem:v0+s17+$0xFFFFFFC0 ss:$0x1], $0xffff;
	[tilespmem:s18+$0xFFFFFFE0] =	vst v4  }
0x2e: {  	v5 =	vld.idx.msk [tilespmem:v0+s17+$0xFFFFFFD0 ss:$0x1], $0xffff;
	[tilespmem:s18+$0xFFFFFFF0] =	vst v3  }
.Ltmp3:
0x2f: {  	v4 =	vld.idx.msk [tilespmem:v0+s17+$0xFFFFFFE0 ss:$0x1], $0xffff;
	[tilespmem:s18+$0x0] =	vst v1;
	(pc) =	sbr.rel @p1 .LBB1_4-.Ltmp3, $4  }
0x30: {  	v3 =	vld.idx.msk [tilespmem:v0+s17+$0xFFFFFFF0 ss:$0x1], $0xffff;
	[tilespmem:s18+$0x10] =	vst v2  }
0x31: {  	v1 =	vld.idx.msk [tilespmem:v0+s17+$0x0 ss:$0x1], $0xffff;
	[tilespmem:s18+$0x20] =	vst v6;
	s18 =	sadd.s32 $0x800, s18  }
0x32: {  	v2 =	vld.idx.msk [tilespmem:v0+s17+$0x10 ss:$0x1], $0xffff;
	[tilespmem:s18+$0x30] =	vst v7  }
0x33: {  	[tilespmem:s18+$0xFFFFFFC0] =	vst v8;
	v6 =	vld.idx.msk [tilespmem:v0+s17+$0x20 ss:$0x1], $0xffff;
	s17 =	sshra.s32 s19, $0x2;
	s19 =	sadd.s32 $0x200, s19  }
0x34: {  	_ =	sdelay $0x2  }
0x35: {  	[tilespmem:s18+$0xFFFFFFD0] =	vst v5  }
0x36: {  	v56 =	vld.idx.msk [tilespmem:v0+s17+$0x30 ss:$0x1], $0xffff;
	[tilespmem:s18+$0xFFFFFFE0] =	vst v4  }
0x37: {  	v57 =	vld.idx.msk [tilespmem:v0+s17+$0xFFFFFFC0 ss:$0x1], $0xffff;
	[tilespmem:s18+$0xFFFFFFF0] =	vst v3  }
0x38: {  	v58 =	vld.idx.msk [tilespmem:v0+s17+$0xFFFFFFD0 ss:$0x1], $0xffff;
	[tilespmem:s18+$0x0] =	vst v1  }
0x39: {  	v59 =	vld.idx.msk [tilespmem:v0+s17+$0xFFFFFFE0 ss:$0x1], $0xffff;
	[tilespmem:s18+$0x10] =	vst v2  }
0x3a: {  	v60 =	vld.idx.msk [tilespmem:v0+s17+$0xFFFFFFF0 ss:$0x1], $0xffff;
	s31 =	sadd.s32 $0x800, s18;
	[tilespmem:s18+$0x20] =	vst v6  }
0x3b: {  	v61 =	vld.idx.msk [tilespmem:v0+s17+$0x0 ss:$0x1], $0xffff;
	[tilespmem:s31+$0x30] =	vst v56  }
0x3c: {  	v62 =	vld.idx.msk [tilespmem:v0+s17+$0x10 ss:$0x1], $0xffff;
	s16 =	sadd.s32 $0x1, s16;
	[tilespmem:s31+$0xFFFFFFC0] =	vst v57  }
0x3d: {  	v63 =	vld.idx.msk [tilespmem:v0+s17+$0x20 ss:$0x1], $0xffff;
	p1 =	sne.s32 s16, $0x10;
	[tilespmem:s31+$0xFFFFFFD0] =	vst v58  }
.Ltmp4:
0x3e: {  	[tilespmem:s31+$0xFFFFFFE0] =	vst v59;
	(pc) =	sbr.rel @p1 .LBB1_3-.Ltmp4, $4  }
0x3f: {  	[tilespmem:s31+$0xFFFFFFF0] =	vst v60  }
0x40: {  	[tilespmem:s31+$0x0] =	vst v61  }
0x41: {  	[tilespmem:s31+$0x10] =	vst v62  }
0x42: {  	s13 =	sadd.s32 $0x80, s13;
	s15 =	sadd.s32 $0x400, s15;
	[tilespmem:s31+$0x20] =	vst v63  }
.Ltmp5:
0x43: {  	(pc) =	sbr.rel .LBB1_7-.Ltmp5, $4  }
0x44: {  	s12 =	sshll.u32 s12, $0xC;
	s11 =	sshll.u32 s11, $0x4  }
0x45: {  	s11 =	sand.u32 $0x1F0, s11;
	s12 =	sadd.s32 s3, s12  }
0x46: {  	s11 =	sadd.s32 s11, s12  }
0x47: {  	[hbm4b:s11+s6] =	stream.strided.scatter [tilespmem:s14], [sflag:$0x2], $0x4000, s7, s6, $0x38;
	[tilespmem:$0x10000] =	vst v63  }
.LBB1_8:
0x48: {  	_ =	sfence.sel $0x180000  }
0x49: {  	s2 =	simm.s32 $0x1;
	[bflag:$0x0] =	sbarrier.arrive $0xFFFF  }
0x4a: {  	s31 =	simm.s32 $0x2;
	[sflag:s2] =	ssyncpa.u1 $0x1  }
0x4b: {  	[sflag:s31] =	ssyncpa.u1 $0x1  }
0x4c: {  	p0 =	sne.s32 s1, $0x0;
	_ =	strace $0x9000004A  }
0x4d: {  	s0 =	sadd.s32 @!p0 $0x100000, s0;
	[bflag:$0x2] =	sbarrier.arrive $0xFFFF  }
0x4e: {  	[sflag:s0] =	ssyncadd.tile.s32 @!p0 $0x1;
	_ =	shalt  }
.Lfunc_end1:
_tile_overlayer_lowered:
.L_overlay_start_2:
0x4f: {  	(tag) =	ssettag $0x2  }
0x50: {  	s0 =	rddreg [dreg:$0x0];
	s2 =	stileid.u32  }
0x51: {  	s1 =	rddreg [dreg:$0x1];
	p0 =	sne.s32 s2, $0x0  }
0x52: {  	s3 =	rddreg [dreg:$0x2];
	[bflag:$0x3] =	sbarrier.arrive $0xFFFF;
	s2 =	simm.s32 @!p0 $0x1C01  }
0x53: {  	[timem:s3], [sflag:s2] =	dma.local @!p0 [hbm:s0], s1  }
0x54: {  	s0 =	simm.s32 @!p0 $0x1  }
0x55: {  	_ =	swait.ge @!p0 [sflag:s0], s1  }
0x56: {  	s1 =	ssub.s32 @!p0 $0x0, s1;
	[sflag:s0] =	ssyncset.done @!p0 $0x0  }
0x57: {  	[sflag:s0] =	ssyncadd.s32 @!p0 s1  }
0x58: {  	[bflag:$0x3] =	sbarrier.arrive $0xFFFF  }
0x59: {  	_ =	shalt  }

// kernel: sparse-core-data-format-call.cloned.1.call-start
scs
called_computation_lowered:
.L_overlay_start_0:
0x0: {  	s2 =	sld [smem:$0x3FD9]  }
0x1: {  	s3 =	sld [smem:$0x3FFE];
	_ =	sdelay $0x1  }
0x2: {  	s1 =	srdreg.scid  }
0x3: {  	s0 =	sand.u32 $0x1, s1  }
0x4: {  	s18 =	sshll.u32 s0, $0xA;
	s2 =	sadd.s32 s3, s2  }
0x5: {  	s2 =	sadd.s32 s2, s18  }
0x6: {  	[smem:$0x3FC6] =	sst s2  }
0x7: {  	_ = 	snop  }
0x8: {  	s2 =	sld [smem:$0x3FC8];
	(tm) =	ssettm $0x1  }
0x9: {  	s19 =	sld [smem:$0x3FFB];
	_ =	sdelay $0x3  }
0xa: {  	_ =	strace s19  }
0xb: {  	s3 =	sld [smem:$0x3FFC];
	_ =	sdelay $0x3  }
0xc: {  	_ =	strace s3  }
0xd: {  	s3 =	sld [smem:$0x3FFD];
	_ =	sdelay $0x3  }
0xe: {  	_ =	strace s3  }
0xf: {  	_ =	strace $0x8FFFFFFF  }
0x10: {  	s20 =	sld [smem:$0x3FDB];
	_ =	sdelay $0x1  }
0x11: {  	s4 =	simm.s32 $_scs_section_size  }
0x12: {  	s5 =	simm.s32 $_size__tile_overlayer_lowered;
	s6 =	simm.s32 $_tile_overlayer_lowered  }
0x13: {  	s23 =	simm.s32 $0x1BFF;
	s22 =	sshll.u32 s6, $0x1;
	s3 =	sadd.s32 s4, s20  }
0x14: {  	s7 =	simm.s32 $0x0;
	s21 =	sshll.u32 s5, $0x1;
	s5 =	sadd.s32 s22, s3  }
0x15: {  	[timem:s7], [sflag:s23] =	dma.local [hbm:s5], s21  }
0x16: {  	_ =	swait.ge [sflag:s23], s21  }
0x17: {  	s4 =	ssub.s32 $0x0, s21;
	[sflag:s23] =	ssyncset.done $0x0  }
0x18: {  	[sflag:s23] =	ssyncadd.s32 s4;
	_ =	sdelay $0x1  }
0x19: {  	s24 =	simm.s32 $0x1B8B  }
0x1a: {  	_ =	swait.ge [sflag:s24], $0x1  }
0x1b: {  	[sflag:s24] =	ssyncset.done $0x0  }
0x1c: {  	s26 =	simm.s32 $0x1B8E;
	s25 =	sld [smem:$0x3FFE];
	[sflag:s24] =	ssyncadd.s32 $0xFFFFFFFF  }
0x1d: {  	s27 =	simm.s32 $execute0_lowered;
	[smem:$0x3FD2] =	sst s26  }
0x1e: {  	s5 =	sshll.u32 s27, $0x1;
	_ =	strace $0x80000046;
	[dreg:$0x1] =	wrdreg $0xFFFFFFFF  }
0x1f: {  	s28 =	simm.s32 $_size_execute0_lowered;
	s3 =	sadd.s32 s3, s5;
	[dreg:$0x0] =	wrdreg $0x0  }
0x20: {  	s5 =	sshll.u32 s28, $0x1;
	[dreg:$0x2] =	wrdreg s3  }
0x21: {  	[dreg:$0x3] =	wrdreg s5  }
0x22: {  	[dreg:$0x4] =	wrdreg $0xC0  }
0x23: {  	_ =	task [dreg:s7], $0x5FFFF  }
0x24: {  	[dreg:$0x1] =	wrdreg $0xFFFFFFFF  }
0x25: {  	[dreg:$0x0] =	wrdreg $0x60  }
0x26: {  	[dreg:$0x2] =	wrdreg s2  }
0x27: {  	[dreg:$0x3] =	wrdreg s25  }
0x28: {  	[dreg:$0x4] =	wrdreg $0x9  }
0x29: {  	_ =	task.clear_ibuf [dreg:s7], $0x5FFFF;
	_ =	strace $0x90000046  }
0x2a: {  	s29 =	simm.s32 $0x9;
	_ =	strace $0x80000048  }
0x2b: {  	_ =	swait.ge [sflag:s29], $0x1  }
0x2c: {  	[sflag:s29] =	ssyncadd.s32 $0xFFFFFFFF  }
0x2d: {  	_ =	strace $0x90000048  }
0x2e: {  	_ =	sfence  }
0x2f: {  	s30 =	sld [smem:$0x0];
	_ =	sdelay $0x2  }
0x30: {  	s31 =	sshll.u32 s1, $0xD;
	s1 =	sshrl.u32 s1, $0x2  }
0x31: {  	s3 =	sand.u32 $0x4000, s31;
	s1 =	sadd.s32 s1, s30  }
0x32: {  	s0 =	sor.u32 s3, s0;
	s1 =	sshll.u32 s1, $0x11  }
0x33: {  	s0 =	sor.u32 s1, s0  }
0x34: {  	s0 =	sadd.s32 $0x8F2B, s0  }
0x35: {  	[sflag:s0] =	ssyncadd.remote.s32 $0x1  }
0x36: {  	_ =	sfence.sel $0xFFFF  }
0x37: {  	[dreg:$0x0] =	wrdreg $0xFFFFFFFF;
	(pc) =	sbr.abs _section_cstart, $3  }
0x38: {  	[dreg:$0x1] =	wrdreg $0xFFFFFFFF  }
0x39: {  	_ =	task.clear_ibuf [dreg:s7], $0x2FFFF;
	_ =	strace $0x9FFFFFFF  }
0x3a: {  	(tm) =	ssettm $0x7FFFFFFF  }
0x3b: {  	_ =	shalt  }
tec
execute0_lowered:
.L_overlay_start_1:
0x0: {  	(tag) =	ssettag $0x1  }
0x1: {  	s2 =	rddreg [dreg:$0x0]  }
0x2: {  	s1 =	rddreg [dreg:$0x1]  }
0x3: {  	s0 =	rddreg [dreg:$0x2];
	_ =	strace $0x80000047;
	s4 =	srdreg.scid  }
0x4: {  	s6 =	simm.s32 $0x2;
	s11 =	simm.s32 $0x0;
	p0 =	por $0x0, $0x0  }
.Ltmp0:
0x5: {  	s7 =	simm.s32 $0x1000;
	s12 =	simm.s32 $0x0;
	(pc) =	sbr.rel .LBB1_1-.Ltmp0, $4  }
0x6: {  	s9 =	simm.s32 $0x0;
	s3 =	sadd.s32 $0xC00, s1;
	s5 =	sshll.u32 s4, $0x4  }
0x7: {  	s1 =	stileid.u32;
	s4 =	simm.s32 $0x1;
	s5 =	sand.u32 $0x10, s5  }
0x8: {  	s8 =	simm.s32 $0x0;
	[sflag:s4] =	ssyncpa.u1 $0x0;
	s5 =	sor.u32 s1, s5  }
0x9: {  	[sflag:s6] =	ssyncpa.u1 $0x0;
	s6 =	simm.s32 $0x800;
	s10 =	smov.u32 s5  }
.LBB1_7:
0xa: {  	s13 =	sadd.s32 $0x10, s9  }
0xb: {  	s11 =	sadd.s32 $0x20, s10;
	s15 =	smov.u32 s10;
	p2 =	sgt.s32 s13, $0x1F  }
0xc: {  	p1 =	slt.u32 s8, $0x2;
	s15 =	smov.u32 @p2 s11  }
0xd: {  	s8 =	sadd.s32 $0x1, s8;
	s13 =	simm.s32 @p2 $0x0;
	p2 =	sgt.s32 s15, $0x1FF  }
0xe: {  	s15 =	smov.u32 @p2 s5;
	p2 =	sne.s32 s8, $0x22  }
.Ltmp1:
0xf: {  	_ = 	snop;
	(pc) =	sbr.rel @!p2 .LBB1_8-.Ltmp1, $4  }
0x10: {  	s14 =	simm.s32 @!p1 $0x2  }
0x11: {  	s12 =	smov.u32 s10;
	_ =	swait.ge @!p1 [sflag:s14], $0x4000  }
0x12: {  	p0 =	por !p0, !p0;
	s11 =	smov.u32 s9;
	[sflag:s14] =	ssyncset.done @!p1 $0x0  }
0x13: {  	s9 =	smov.u32 s13;
	[sflag:s14] =	ssyncadd.s32 @!p1 $0xFFFFC000;
	s10 =	smov.u32 s15  }
.LBB1_1:
0x14: {  	p1 =	sgt.u32 s8, $0x1F  }
0x15: {  	s13 =	sxor.u32 @!p1 $0xFFFFFFFF, s8;
	s14 =	sshll.u32 @!p1 s10, $0xC  }
0x16: {  	s15 =	sshll.u32 @!p1 s9, $0x7;
	s13 =	sshll.u32 @!p1 s13, $0xE;
	s14 =	sadd.s32 @!p1 s2, s14  }
0x17: {  	s13 =	sand.u32 @!p1 $0x4000, s13;
	s14 =	sadd.s32 @!p1 s15, s14;
	s15 =	simm.s32 @!p1 $0x0  }
0x18: {  	[tilespmem:s13], [sflag:$0x1] =	stream.linear.gather @!p1 [hbm4b:s14+s15], $0x4000, $0x38;
	[tilespmem:$0x10000] =	vst v63  }
0x19: {  	p1 =	seq.s32 s8, $0x0  }
0x1a: {  	p2 =	seq.s32 @!p1 s8, $0x21  }
0x1b: {  	p1 =	por p1, p2  }
.Ltmp2:
0x1c: {  	_ = 	snop;
	(pc) =	sbr.rel @p1 .LBB1_7-.Ltmp2, $1  }
0x1d: {  	_ =	sdelay $0x3  }
0x1e: {  	s13 =	simm.s32 $0x1;
	_ =	swait.ge [sflag:s4], $0x4000;
	s16 =	sshll.u32 s8, $0xE  }
0x1f: {  	s13 =	simm.s32 @!p0 $0x0;
	[sflag:s4] =	ssyncset.done $0x0;
	s31 =	sand.u32 $0x4000, s16  }
0x20: {  	s16 =	simm.s32 $0x0;
	s14 =	sshll.u32 s13, $0xE;
	[sflag:s4] =	ssyncadd.s32 $0xFFFFC000  }
0x21: {  	s13 =	sor.u32 $0x8040, s14;
	s15 =	sor.u32 $0x40, s14;
	s14 =	sor.u32 $0x8000, s31  }
.LBB1_3:
0x22: {  	v0 =	vmov s15;
	_ =	sdelay $0x3  }
0x23: {  	s18 =	simm.s32 $0x0  }
0x24: {  	v6 =	vld.idx.msk [tilespmem:v0+s18+$0x30 ss:$0x1], $0xffff  }
0x25: {  	v7 =	vld.idx.msk [tilespmem:v0+s18+$0xFFFFFFC0 ss:$0x1], $0xffff  }
0x26: {  	v5 =	vld.idx.msk [tilespmem:v0+s18+$0xFFFFFFD0 ss:$0x1], $0xffff  }
0x27: {  	v4 =	vld.idx.msk [tilespmem:v0+s18+$0xFFFFFFE0 ss:$0x1], $0xffff  }
0x28: {  	v3 =	vld.idx.msk [tilespmem:v0+s18+$0xFFFFFFF0 ss:$0x1], $0xffff  }
0x29: {  	v1 =	vld.idx.msk [tilespmem:v0+s18+$0x0 ss:$0x1], $0xffff  }
0x2a: {  	v2 =	vld.idx.msk [tilespmem:v0+s18+$0x10 ss:$0x1], $0xffff;
	[tilespmem:s13+$0x30] =	vst v6  }
0x2b: {  	s17 =	simm.s32 $0x80;
	s19 =	simm.s32 $0x400;
	[tilespmem:s13+$0xFFFFFFC0] =	vst v7;
	v6 =	vld.idx.msk [tilespmem:v0+s18+$0x20 ss:$0x1], $0xffff;
	s18 =	smov.u32 s13  }
.LBB1_4:
0x2c: {  	p1 =	sne.s32 s19, $0xE00;
	v7 =	vld.idx.msk [tilespmem:v0+s17+$0x30 ss:$0x1], $0xffff;
	[tilespmem:s18+$0xFFFFFFD0] =	vst v5  }
0x2d: {  	v8 =	vld.idx.msk [tilespmem:v0+s17+$0xFFFFFFC0 ss:$0x1], $0xffff;
	[tilespmem:s18+$0xFFFFFFE0] =	vst v4  }
0x2e: {  	v5 =	vld.idx.msk [tilespmem:v0+s17+$0xFFFFFFD0 ss:$0x1], $0xffff;
	[tilespmem:s18+$0xFFFFFFF0] =	vst v3  }
.Ltmp3:
0x2f: {  	v4 =	vld.idx.msk [tilespmem:v0+s17+$0xFFFFFFE0 ss:$0x1], $0xffff;
	[tilespmem:s18+$0x0] =	vst v1;
	(pc) =	sbr.rel @p1 .LBB1_4-.Ltmp3, $4  }
0x30: {  	v3 =	vld.idx.msk [tilespmem:v0+s17+$0xFFFFFFF0 ss:$0x1], $0xffff;
	[tilespmem:s18+$0x10] =	vst v2  }
0x31: {  	v1 =	vld.idx.msk [tilespmem:v0+s17+$0x0 ss:$0x1], $0xffff;
	[tilespmem:s18+$0x20] =	vst v6;
	s18 =	sadd.s32 $0x800, s18  }
0x32: {  	v2 =	vld.idx.msk [tilespmem:v0+s17+$0x10 ss:$0x1], $0xffff;
	[tilespmem:s18+$0x30] =	vst v7  }
0x33: {  	[tilespmem:s18+$0xFFFFFFC0] =	vst v8;
	v6 =	vld.idx.msk [tilespmem:v0+s17+$0x20 ss:$0x1], $0xffff;
	s17 =	sshra.s32 s19, $0x2;
	s19 =	sadd.s32 $0x200, s19  }
0x34: {  	_ =	sdelay $0x2  }
0x35: {  	[tilespmem:s18+$0xFFFFFFD0] =	vst v5  }
0x36: {  	v56 =	vld.idx.msk [tilespmem:v0+s17+$0x30 ss:$0x1], $0xffff;
	[tilespmem:s18+$0xFFFFFFE0] =	vst v4  }
0x37: {  	v57 =	vld.idx.msk [tilespmem:v0+s17+$0xFFFFFFC0 ss:$0x1], $0xffff;
	[tilespmem:s18+$0xFFFFFFF0] =	vst v3  }
0x38: {  	v58 =	vld.idx.msk [tilespmem:v0+s17+$0xFFFFFFD0 ss:$0x1], $0xffff;
	[tilespmem:s18+$0x0] =	vst v1  }
0x39: {  	v59 =	vld.idx.msk [tilespmem:v0+s17+$0xFFFFFFE0 ss:$0x1], $0xffff;
	[tilespmem:s18+$0x10] =	vst v2  }
0x3a: {  	v60 =	vld.idx.msk [tilespmem:v0+s17+$0xFFFFFFF0 ss:$0x1], $0xffff;
	s31 =	sadd.s32 $0x800, s18;
	[tilespmem:s18+$0x20] =	vst v6  }
0x3b: {  	v61 =	vld.idx.msk [tilespmem:v0+s17+$0x0 ss:$0x1], $0xffff;
	[tilespmem:s31+$0x30] =	vst v56  }
0x3c: {  	v62 =	vld.idx.msk [tilespmem:v0+s17+$0x10 ss:$0x1], $0xffff;
	s16 =	sadd.s32 $0x1, s16;
	[tilespmem:s31+$0xFFFFFFC0] =	vst v57  }
0x3d: {  	v63 =	vld.idx.msk [tilespmem:v0+s17+$0x20 ss:$0x1], $0xffff;
	p1 =	sne.s32 s16, $0x10;
	[tilespmem:s31+$0xFFFFFFD0] =	vst v58  }
.Ltmp4:
0x3e: {  	[tilespmem:s31+$0xFFFFFFE0] =	vst v59;
	(pc) =	sbr.rel @p1 .LBB1_3-.Ltmp4, $4  }
0x3f: {  	[tilespmem:s31+$0xFFFFFFF0] =	vst v60  }
0x40: {  	[tilespmem:s31+$0x0] =	vst v61  }
0x41: {  	[tilespmem:s31+$0x10] =	vst v62  }
0x42: {  	s13 =	sadd.s32 $0x80, s13;
	s15 =	sadd.s32 $0x400, s15;
	[tilespmem:s31+$0x20] =	vst v63  }
.Ltmp5:
0x43: {  	(pc) =	sbr.rel .LBB1_7-.Ltmp5, $4  }
0x44: {  	s12 =	sshll.u32 s12, $0xC;
	s11 =	sshll.u32 s11, $0x4  }
0x45: {  	s11 =	sand.u32 $0x1F0, s11;
	s12 =	sadd.s32 s3, s12  }
0x46: {  	s11 =	sadd.s32 s11, s12  }
0x47: {  	[hbm4b:s11+s6] =	stream.strided.scatter [tilespmem:s14], [sflag:$0x2], $0x4000, s7, s6, $0x38;
	[tilespmem:$0x10000] =	vst v63  }
.LBB1_8:
0x48: {  	_ =	sfence.sel $0x180000  }
0x49: {  	s2 =	simm.s32 $0x1;
	[bflag:$0x0] =	sbarrier.arrive $0xFFFF  }
0x4a: {  	s31 =	simm.s32 $0x2;
	[sflag:s2] =	ssyncpa.u1 $0x1  }
0x4b: {  	[sflag:s31] =	ssyncpa.u1 $0x1  }
0x4c: {  	p0 =	sne.s32 s1, $0x0;
	_ =	strace $0x90000047  }
0x4d: {  	s0 =	sadd.s32 @!p0 $0x100000, s0;
	[bflag:$0x2] =	sbarrier.arrive $0xFFFF  }
0x4e: {  	[sflag:s0] =	ssyncadd.tile.s32 @!p0 $0x1;
	_ =	shalt  }
.Lfunc_end1:
_tile_overlayer_lowered:
.L_overlay_start_2:
0x4f: {  	(tag) =	ssettag $0x2  }
0x50: {  	s0 =	rddreg [dreg:$0x0];
	s2 =	stileid.u32  }
0x51: {  	s1 =	rddreg [dreg:$0x1];
	p0 =	sne.s32 s2, $0x0  }
0x52: {  	s3 =	rddreg [dreg:$0x2];
	[bflag:$0x3] =	sbarrier.arrive $0xFFFF;
	s2 =	simm.s32 @!p0 $0x1C01  }
0x53: {  	[timem:s3], [sflag:s2] =	dma.local @!p0 [hbm:s0], s1  }
0x54: {  	s0 =	simm.s32 @!p0 $0x1  }
0x55: {  	_ =	swait.ge @!p0 [sflag:s0], s1  }
0x56: {  	s1 =	ssub.s32 @!p0 $0x0, s1;
	[sflag:s0] =	ssyncset.done @!p0 $0x0  }
0x57: {  	[sflag:s0] =	ssyncadd.s32 @!p0 s1  }
0x58: {  	[bflag:$0x3] =	sbarrier.arrive $0xFFFF  }
0x59: {  	_ =	shalt  }

</sc_bundles>
